<compile_context>
chip_gen: v7x
topology: tpu7x:2x2x1
jax: 0.10.2.dev20260603
libtpu: 0.0.44.dev20260713+nightly
codegen_flags: <defaults>
</compile_context>

<pallas_src>
import functools

import jax
import jax.numpy as jnp
from jax import lax
from jax.experimental import pallas as pl
from jax.experimental.pallas import tpu as pltpu
from jax.experimental.pallas import tpu_sc as plsc

V = 8192
D = 32
B = 16384
RB = 512
GB = 4096
NC = 2
NS = 16
L = 16
NW = NC * NS
BPW = B // NW
CH = 128
NCH = BPW // CH
VSL = V // NS


def _argmin_body(x_ref, et_ref, idx_ref, e2_ref, col_ref):
    i = pl.program_id(0)

    @pl.when(i == 0)
    def _():
        et0 = et_ref[...]
        e2_ref[...] = jnp.sum(et0 * et0, axis=0, keepdims=True)
        col_ref[...] = lax.broadcasted_iota(
            jnp.int32, (1, V), 1).astype(jnp.float32)

    xb = x_ref[...]
    et = et_ref[...]
    x2 = jnp.sum(xb * xb, axis=1, keepdims=True)
    t = x2 + e2_ref[...]
    mm = jnp.dot((xb * -2.0).astype(jnp.bfloat16), et.astype(jnp.bfloat16),
                 preferred_element_type=jnp.float32)
    d = t + mm
    acc_v = None
    acc_i = None
    for g in range(V // GB):
        dg = d[:, g * GB:(g + 1) * GB]
        mg = jnp.min(dg, axis=1, keepdims=True)
        colg = col_ref[:, g * GB:(g + 1) * GB]
        ig = jnp.min(jnp.where(dg == mg, colg, jnp.float32(1e9)),
                     axis=1, keepdims=True)
        if g == 0:
            acc_v, acc_i = mg, ig
        else:
            ar = acc_v.astype(jnp.bfloat16).astype(jnp.float32)
            take = mg < ar
            acc_i = jnp.where(take, ig, acc_i)
            acc_v = jnp.where(take, mg, ar)
    idx_ref[...] = acc_i.reshape(RB).astype(jnp.int32)


def _argmin_call(x, emb_t):
    return pl.pallas_call(
        _argmin_body,
        grid=(B // RB,),
        in_specs=[
            pl.BlockSpec((RB, D), lambda i: (i, 0)),
            pl.BlockSpec((D, V), lambda i: (0, 0)),
        ],
        out_specs=pl.BlockSpec((RB,), lambda i: (i,)),
        out_shape=jax.ShapeDtypeStruct((B,), jnp.int32),
        scratch_shapes=[
            pltpu.VMEM((1, V), jnp.float32),
            pltpu.VMEM((1, V), jnp.float32),
        ],
    )(x, emb_t)


def _sc_body(emb_hbm, idx3_hbm, zeros_hbm, ones_hbm,
             quant_hbm, counts_hbm,
             idx_v, rows_v, ones_v, shared_cnt, sem):
    c = lax.axis_index("c")
    s = lax.axis_index("s")
    wid = s * NC + c
    base = wid * BPW

    pltpu.sync_copy(idx3_hbm.at[wid], idx_v)
    pltpu.sync_copy(ones_hbm, ones_v)
    pltpu.sync_copy(zeros_hbm.at[pl.ds(s * VSL, VSL)],
                    shared_cnt.at[pl.ds(s * VSL, VSL)])

    handles = [
        pltpu.async_copy(emb_hbm.at[idx_v.at[j]],
                         rows_v.at[pl.ds(j * CH, CH)], sem)
        for j in range(NCH)
    ]
    for h in handles:
        h.wait()
    pltpu.sync_copy(rows_v, quant_hbm.at[pl.ds(base, BPW)])

    plsc.subcore_barrier()
    for j in range(NCH):
        pltpu.sync_copy(ones_v, shared_cnt.at[idx_v.at[j]], add=True)
    plsc.subcore_barrier()
    pltpu.sync_copy(shared_cnt.at[pl.ds(s * VSL, VSL)],
                    counts_hbm.at[pl.ds(c * V + s * VSL, VSL)])


def _sc_call(emb, idx):
    idx3 = idx.reshape(NW, NCH, CH)
    zeros = jnp.zeros((V, L), jnp.float32)
    ones = jnp.ones((CH, L), jnp.float32)
    mesh = plsc.VectorSubcoreMesh(core_axis_name="c", subcore_axis_name="s")
    f = pl.kernel(
        _sc_body,
        out_type=[
            jax.ShapeDtypeStruct((B, D), jnp.float32),
            jax.ShapeDtypeStruct((NC * V, L), jnp.float32),
        ],
        mesh=mesh,
        scratch_types=[
            pltpu.VMEM((NCH, CH), jnp.int32),
            pltpu.VMEM((BPW, D), jnp.float32),
            pltpu.VMEM((CH, L), jnp.float32),
            pltpu.VMEM_SHARED((V, L), jnp.float32),
            pltpu.SemaphoreType.DMA,
        ],
        compiler_params=pltpu.CompilerParams(use_tc_tiling_on_sc=False),
    )
    return f(emb, idx3, zeros, ones)


def _final_body(x_ref, q_ref, cnt_ref, qst_ref, loss_ref, perp_ref):
    xv = x_ref[...]
    qv = q_ref[...]
    diff = qv - xv
    qst_ref[...] = xv + diff
    loss = 0.25 * (jnp.sum(diff * diff) * (1.0 / (B * D)))
    loss_ref[...] = jnp.reshape(loss, (1, 1))
    cnt = cnt_ref[0:1, :] + cnt_ref[1:2, :]
    p = cnt * (1.0 / B)
    s = jnp.sum(p * jnp.log(p + 1e-10))
    perp_ref[...] = jnp.reshape(jnp.exp(-s), (1, 1))


def _final_call(x, quant, cnt2):
    return pl.pallas_call(
        _final_body,
        out_shape=[
            jax.ShapeDtypeStruct((B, D), jnp.float32),
            jax.ShapeDtypeStruct((1, 1), jnp.float32),
            jax.ShapeDtypeStruct((1, 1), jnp.float32),
        ],
    )(x, quant, cnt2)


def kernel(inputs, emb_weight):
    emb_t = emb_weight.T
    idx = _argmin_call(inputs, emb_t)
    quant, counts_parts = _sc_call(emb_weight, idx)
    cnt2 = counts_parts.reshape(NC, V, L)[:, :, 0]
    qst, loss, perp = _final_call(inputs, quant, cnt2)
    return (qst, jnp.reshape(loss, ()), idx.reshape(B, 1),
            jnp.reshape(perp, ()))

# --- scband reference (transcript-rebuilt; emitter-appended) ---
"""Pipeline reference for scband-vector-quantizer-ema-21303037788254 (READ-ONLY COPY).

The authoritative reference and input builder live on the scoring server;
editing this copy changes nothing except your own understanding.
"""

import jax, jax.numpy as jnp
import numpy as np

NUM_EMBEDDINGS = 8192
EMBEDDING_DIM = 32
E_LOSS_WEIGHT = 0.25


def setup_inputs(seed: int = 0) -> dict:
    key = jax.random.key(seed)
    k1, k2 = jax.random.split(key)
    inputs = jax.random.normal(k1, (16384, EMBEDDING_DIM), dtype=jnp.float32)
    emb_weight = jax.random.normal(k2, (NUM_EMBEDDINGS, EMBEDDING_DIM), dtype=jnp.float32)
    return {"inputs": inputs, "emb_weight": emb_weight}


def reference(inputs, emb_weight):
    # distances[i, j] = ||inputs_i||^2 + ||emb_j||^2 - 2 <inputs_i, emb_j>
    distances = (
        jnp.sum(inputs ** 2, axis=1, keepdims=True)
        + jnp.sum(emb_weight ** 2, axis=1)
        - 2.0 * jnp.matmul(inputs, emb_weight.T)
    )
    encoding_indices = jnp.argmin(distances, axis=1)
    encodings = jax.nn.one_hot(encoding_indices, NUM_EMBEDDINGS, dtype=jnp.float32)
    quantized = jnp.matmul(encodings, emb_weight).reshape(inputs.shape)
    enc_idx_out = encoding_indices.reshape(inputs.shape[0], -1)
    e_latent_loss = jnp.mean((jax.lax.stop_gradient(quantized) - inputs) ** 2)
    loss = E_LOSS_WEIGHT * e_latent_loss
    # straight-through estimator
    quantized_st = inputs + jax.lax.stop_gradient(quantized - inputs)
    avg_probs = jnp.mean(encodings, axis=0)
    perplexity = jnp.exp(-jnp.sum(avg_probs * jnp.log(avg_probs + 1e-10)))
    return (quantized_st, loss, enc_idx_out, perplexity)

if __name__ == "__main__":
    import jax
    _d = setup_inputs()
    print(jax.jit(kernel)(*tuple(_d.values())))

</pallas_src>

<mosaic_0001>
#map = affine_map<(d0, d1) -> (0, 0)>
#map1 = affine_map<(d0, d1) -> (0, 0, 0)>
module attributes {stable_mosaic.version = 14 : i64} {
  func.func @_sc_body(%arg0: i32, %arg1: i32, %arg2: memref<8192x32xf32, #tpu.memory_space<hbm>>, %arg3: memref<32x4x128xi32, #tpu.memory_space<hbm>>, %arg4: memref<8192x16xf32, #tpu.memory_space<hbm>>, %arg5: memref<128x16xf32, #tpu.memory_space<hbm>>, %arg6: memref<16384x32xf32, #tpu.memory_space<hbm>>, %arg7: memref<16384x16xf32, #tpu.memory_space<hbm>>, %arg8: memref<4x128xi32, #tpu.memory_space<vmem>>, %arg9: memref<512x32xf32, #tpu.memory_space<vmem>>, %arg10: memref<128x16xf32, #tpu.memory_space<vmem>>, %arg11: memref<8192x16xf32, #tpu.memory_space<vmem_shared>>, %arg12: memref<!tpu.dma_semaphore, #tpu.memory_space<semaphore_mem>>) attributes {dimension_semantics = [#tpu.dimension_semantics<core_parallel>, #tpu.dimension_semantics<subcore_parallel>], iteration_bounds = array<i64: 2, 16>, scalar_prefetch = 0 : i64, scratch_operands = 5 : i64, tpu.core_type = #tpu.core_type<sc_vector_subcore>, window_params = [{transform_indices = #map}, {transform_indices = #map1}, {transform_indices = #map}, {transform_indices = #map}, {transform_indices = #map}, {transform_indices = #map}]} {
    %mul3A = arith.constant 2 : i32
    %mul3A_0 = arith.muli %arg1, %mul3A : i32
    %add3A = arith.addi %mul3A_0, %arg0 : i32
    %mul3A_1 = arith.constant 512 : i32
    %mul3A_2 = arith.muli %add3A, %mul3A_1 : i32
    "tpu.region"() ({
      %run_scoped3A_96 = tpu.sem_alloc : memref<!tpu.dma_semaphore, #tpu.memory_space<semaphore_mem>>
      %dma_start3A_97 = arith.constant 0 : i32
      %dma_start3A_98 = arith.constant 0 : i32
      %dma_start3A_99 = tpu.memref_slice %arg3[%add3A, %dma_start3A_97, %dma_start3A_98] : memref<32x4x128xi32, #tpu.memory_space<hbm>> -> memref<1x4x128xi32, #tpu.memory_space<hbm>>
      %dma_start3A_100 = tpu.memref_squeeze %dma_start3A_99 : memref<1x4x128xi32, #tpu.memory_space<hbm>> -> memref<4x128xi32, #tpu.memory_space<hbm>>
      %dma_start3A_101 = arith.constant 0 : i32
      %dma_start3A_102 = arith.constant 0 : i32
      %dma_start3A_103 = tpu.memref_slice %arg3[%add3A, %dma_start3A_101, %dma_start3A_102] : memref<32x4x128xi32, #tpu.memory_space<hbm>> -> memref<1x4x128xi32, #tpu.memory_space<hbm>>
      %dma_start3A_104 = tpu.memref_squeeze %dma_start3A_103 : memref<1x4x128xi32, #tpu.memory_space<hbm>> -> memref<4x128xi32, #tpu.memory_space<hbm>>
      tpu.enqueue_dma source(%dma_start3A_104 : memref<4x128xi32, #tpu.memory_space<hbm>>) target(%arg8 : memref<4x128xi32, #tpu.memory_space<vmem>>) target_semaphore(%run_scoped3A_96 : memref<!tpu.dma_semaphore, #tpu.memory_space<semaphore_mem>>)
      %dma_wait3A_105 = arith.constant 0 : i32
      %dma_wait3A_106 = arith.constant 0 : i32
      %dma_wait3A_107 = tpu.memref_slice %arg3[%add3A, %dma_wait3A_105, %dma_wait3A_106] : memref<32x4x128xi32, #tpu.memory_space<hbm>> -> memref<1x4x128xi32, #tpu.memory_space<hbm>>
      %dma_wait3A_108 = tpu.memref_squeeze %dma_wait3A_107 : memref<1x4x128xi32, #tpu.memory_space<hbm>> -> memref<4x128xi32, #tpu.memory_space<hbm>>
      %dma_wait3A_109 = arith.constant 0 : i32
      %dma_wait3A_110 = arith.constant 0 : i32
      %dma_wait3A_111 = tpu.memref_slice %arg3[%add3A, %dma_wait3A_109, %dma_wait3A_110] : memref<32x4x128xi32, #tpu.memory_space<hbm>> -> memref<1x4x128xi32, #tpu.memory_space<hbm>>
      %dma_wait3A_112 = tpu.memref_squeeze %dma_wait3A_111 : memref<1x4x128xi32, #tpu.memory_space<hbm>> -> memref<4x128xi32, #tpu.memory_space<hbm>>
      tpu.wait_dma2 semaphore(%run_scoped3A_96 : memref<!tpu.dma_semaphore, #tpu.memory_space<semaphore_mem>>) src(%dma_wait3A_112 : memref<4x128xi32, #tpu.memory_space<hbm>>) dst(%arg8 : memref<4x128xi32, #tpu.memory_space<vmem>>)
      tpu.yield
    }) : () -> ()
    "tpu.region"() ({
      %run_scoped3A_96 = tpu.sem_alloc : memref<!tpu.dma_semaphore, #tpu.memory_space<semaphore_mem>>
      tpu.enqueue_dma source(%arg5 : memref<128x16xf32, #tpu.memory_space<hbm>>) target(%arg10 : memref<128x16xf32, #tpu.memory_space<vmem>>) target_semaphore(%run_scoped3A_96 : memref<!tpu.dma_semaphore, #tpu.memory_space<semaphore_mem>>)
      tpu.wait_dma2 semaphore(%run_scoped3A_96 : memref<!tpu.dma_semaphore, #tpu.memory_space<semaphore_mem>>) src(%arg5 : memref<128x16xf32, #tpu.memory_space<hbm>>) dst(%arg10 : memref<128x16xf32, #tpu.memory_space<vmem>>)
      tpu.yield
    }) : () -> ()
    %mul3A_3 = arith.constant 512 : i32
    %mul3A_4 = arith.muli %arg1, %mul3A_3 : i32
    %mul3A_5 = arith.constant 512 : i32
    %mul3A_6 = arith.muli %arg1, %mul3A_5 : i32
    "tpu.region"() ({
      %run_scoped3A_96 = tpu.sem_alloc : memref<!tpu.dma_semaphore, #tpu.memory_space<semaphore_mem>>
      %dma_start3A_97 = arith.constant 0 : i32
      %dma_start3A_98 = tpu.memref_slice %arg11[%mul3A_6, %dma_start3A_97] : memref<8192x16xf32, #tpu.memory_space<vmem_shared>> -> memref<512x16xf32, #tpu.memory_space<vmem_shared>>
      %dma_start3A_99 = arith.constant 0 : i32
      %dma_start3A_100 = tpu.memref_slice %arg4[%mul3A_4, %dma_start3A_99] : memref<8192x16xf32, #tpu.memory_space<hbm>> -> memref<512x16xf32, #tpu.memory_space<hbm>>
      tpu.enqueue_dma source(%dma_start3A_100 : memref<512x16xf32, #tpu.memory_space<hbm>>) target(%dma_start3A_98 : memref<512x16xf32, #tpu.memory_space<vmem_shared>>) target_semaphore(%run_scoped3A_96 : memref<!tpu.dma_semaphore, #tpu.memory_space<semaphore_mem>>)
      %dma_wait3A_101 = arith.constant 0 : i32
      %dma_wait3A_102 = tpu.memref_slice %arg11[%mul3A_6, %dma_wait3A_101] : memref<8192x16xf32, #tpu.memory_space<vmem_shared>> -> memref<512x16xf32, #tpu.memory_space<vmem_shared>>
      %dma_wait3A_103 = arith.constant 0 : i32
      %dma_wait3A_104 = tpu.memref_slice %arg4[%mul3A_4, %dma_wait3A_103] : memref<8192x16xf32, #tpu.memory_space<hbm>> -> memref<512x16xf32, #tpu.memory_space<hbm>>
      tpu.wait_dma2 semaphore(%run_scoped3A_96 : memref<!tpu.dma_semaphore, #tpu.memory_space<semaphore_mem>>) src(%dma_wait3A_104 : memref<512x16xf32, #tpu.memory_space<hbm>>) dst(%dma_wait3A_102 : memref<512x16xf32, #tpu.memory_space<vmem_shared>>)
      tpu.yield
    }) : () -> ()
    %dma_start3A = arith.constant 0 : i32
    %dma_start3A_7 = arith.constant 0 : i32
    %dma_start3A_8 = arith.constant 0 : i32
    %dma_start3A_9 = tpu.memref_slice %arg9[%dma_start3A_7, %dma_start3A_8] : memref<512x32xf32, #tpu.memory_space<vmem>> -> memref<128x32xf32, #tpu.memory_space<vmem>>
    %dma_start3A_10 = arith.constant 0 : i32
    %dma_start3A_11 = tpu.memref_slice %arg8[%dma_start3A, %dma_start3A_10] : memref<4x128xi32, #tpu.memory_space<vmem>> -> memref<1x128xi32, #tpu.memory_space<vmem>>
    %dma_start3A_12 = tpu.memref_squeeze %dma_start3A_11 : memref<1x128xi32, #tpu.memory_space<vmem>> -> memref<128xi32, #tpu.memory_space<vmem>>
    %dma_start3A_13 = arith.constant 0 : i32
    %dma_start3A_14 = arith.constant 0 : i32
    %dma_start3A_15 = tpu.memref_slice %arg2[%dma_start3A_13, %dma_start3A_14] : memref<8192x32xf32, #tpu.memory_space<hbm>> -> memref<8192x32xf32, #tpu.memory_space<hbm>>
    tpu.enqueue_indirect_dma source(%dma_start3A_15 : memref<8192x32xf32, #tpu.memory_space<hbm>>) target(%dma_start3A_9 : memref<128x32xf32, #tpu.memory_space<vmem>>) offsets(%dma_start3A_12 : memref<128xi32, #tpu.memory_space<vmem>>) semaphore(%arg12 : memref<!tpu.dma_semaphore, #tpu.memory_space<semaphore_mem>>)
    %dma_start3A_16 = arith.constant 1 : i32
    %dma_start3A_17 = arith.constant 128 : i32
    %dma_start3A_18 = arith.constant 0 : i32
    %dma_start3A_19 = tpu.memref_slice %arg9[%dma_start3A_17, %dma_start3A_18] : memref<512x32xf32, #tpu.memory_space<vmem>> -> memref<128x32xf32, #tpu.memory_space<vmem>>
    %dma_start3A_20 = arith.constant 0 : i32
    %dma_start3A_21 = tpu.memref_slice %arg8[%dma_start3A_16, %dma_start3A_20] : memref<4x128xi32, #tpu.memory_space<vmem>> -> memref<1x128xi32, #tpu.memory_space<vmem>>
    %dma_start3A_22 = tpu.memref_squeeze %dma_start3A_21 : memref<1x128xi32, #tpu.memory_space<vmem>> -> memref<128xi32, #tpu.memory_space<vmem>>
    %dma_start3A_23 = arith.constant 0 : i32
    %dma_start3A_24 = arith.constant 0 : i32
    %dma_start3A_25 = tpu.memref_slice %arg2[%dma_start3A_23, %dma_start3A_24] : memref<8192x32xf32, #tpu.memory_space<hbm>> -> memref<8192x32xf32, #tpu.memory_space<hbm>>
    tpu.enqueue_indirect_dma source(%dma_start3A_25 : memref<8192x32xf32, #tpu.memory_space<hbm>>) target(%dma_start3A_19 : memref<128x32xf32, #tpu.memory_space<vmem>>) offsets(%dma_start3A_22 : memref<128xi32, #tpu.memory_space<vmem>>) semaphore(%arg12 : memref<!tpu.dma_semaphore, #tpu.memory_space<semaphore_mem>>)
    %dma_start3A_26 = arith.constant 2 : i32
    %dma_start3A_27 = arith.constant 256 : i32
    %dma_start3A_28 = arith.constant 0 : i32
    %dma_start3A_29 = tpu.memref_slice %arg9[%dma_start3A_27, %dma_start3A_28] : memref<512x32xf32, #tpu.memory_space<vmem>> -> memref<128x32xf32, #tpu.memory_space<vmem>>
    %dma_start3A_30 = arith.constant 0 : i32
    %dma_start3A_31 = tpu.memref_slice %arg8[%dma_start3A_26, %dma_start3A_30] : memref<4x128xi32, #tpu.memory_space<vmem>> -> memref<1x128xi32, #tpu.memory_space<vmem>>
    %dma_start3A_32 = tpu.memref_squeeze %dma_start3A_31 : memref<1x128xi32, #tpu.memory_space<vmem>> -> memref<128xi32, #tpu.memory_space<vmem>>
    %dma_start3A_33 = arith.constant 0 : i32
    %dma_start3A_34 = arith.constant 0 : i32
    %dma_start3A_35 = tpu.memref_slice %arg2[%dma_start3A_33, %dma_start3A_34] : memref<8192x32xf32, #tpu.memory_space<hbm>> -> memref<8192x32xf32, #tpu.memory_space<hbm>>
    tpu.enqueue_indirect_dma source(%dma_start3A_35 : memref<8192x32xf32, #tpu.memory_space<hbm>>) target(%dma_start3A_29 : memref<128x32xf32, #tpu.memory_space<vmem>>) offsets(%dma_start3A_32 : memref<128xi32, #tpu.memory_space<vmem>>) semaphore(%arg12 : memref<!tpu.dma_semaphore, #tpu.memory_space<semaphore_mem>>)
    %dma_start3A_36 = arith.constant 3 : i32
    %dma_start3A_37 = arith.constant 384 : i32
    %dma_start3A_38 = arith.constant 0 : i32
    %dma_start3A_39 = tpu.memref_slice %arg9[%dma_start3A_37, %dma_start3A_38] : memref<512x32xf32, #tpu.memory_space<vmem>> -> memref<128x32xf32, #tpu.memory_space<vmem>>
    %dma_start3A_40 = arith.constant 0 : i32
    %dma_start3A_41 = tpu.memref_slice %arg8[%dma_start3A_36, %dma_start3A_40] : memref<4x128xi32, #tpu.memory_space<vmem>> -> memref<1x128xi32, #tpu.memory_space<vmem>>
    %dma_start3A_42 = tpu.memref_squeeze %dma_start3A_41 : memref<1x128xi32, #tpu.memory_space<vmem>> -> memref<128xi32, #tpu.memory_space<vmem>>
    %dma_start3A_43 = arith.constant 0 : i32
    %dma_start3A_44 = arith.constant 0 : i32
    %dma_start3A_45 = tpu.memref_slice %arg2[%dma_start3A_43, %dma_start3A_44] : memref<8192x32xf32, #tpu.memory_space<hbm>> -> memref<8192x32xf32, #tpu.memory_space<hbm>>
    tpu.enqueue_indirect_dma source(%dma_start3A_45 : memref<8192x32xf32, #tpu.memory_space<hbm>>) target(%dma_start3A_39 : memref<128x32xf32, #tpu.memory_space<vmem>>) offsets(%dma_start3A_42 : memref<128xi32, #tpu.memory_space<vmem>>) semaphore(%arg12 : memref<!tpu.dma_semaphore, #tpu.memory_space<semaphore_mem>>)
    %dma_wait3A = arith.constant 0 : i32
    %dma_wait3A_46 = arith.constant 0 : i32
    %dma_wait3A_47 = arith.constant 0 : i32
    %dma_wait3A_48 = tpu.memref_slice %arg9[%dma_wait3A_46, %dma_wait3A_47] : memref<512x32xf32, #tpu.memory_space<vmem>> -> memref<128x32xf32, #tpu.memory_space<vmem>>
    %dma_wait3A_49 = arith.constant 0 : i32
    %dma_wait3A_50 = tpu.memref_slice %arg8[%dma_wait3A, %dma_wait3A_49] : memref<4x128xi32, #tpu.memory_space<vmem>> -> memref<1x128xi32, #tpu.memory_space<vmem>>
    %dma_wait3A_51 = tpu.memref_squeeze %dma_wait3A_50 : memref<1x128xi32, #tpu.memory_space<vmem>> -> memref<128xi32, #tpu.memory_space<vmem>>
    %dma_wait3A_52 = arith.constant 0 : i32
    %dma_wait3A_53 = arith.constant 0 : i32
    %dma_wait3A_54 = tpu.memref_slice %arg2[%dma_wait3A_52, %dma_wait3A_53] : memref<8192x32xf32, #tpu.memory_space<hbm>> -> memref<8192x32xf32, #tpu.memory_space<hbm>>
    tpu.wait_indirect_dma semaphore(%arg12 : memref<!tpu.dma_semaphore, #tpu.memory_space<semaphore_mem>>) src(%dma_wait3A_54 : memref<8192x32xf32, #tpu.memory_space<hbm>>) dst(%dma_wait3A_48 : memref<128x32xf32, #tpu.memory_space<vmem>>)
    %dma_wait3A_55 = arith.constant 1 : i32
    %dma_wait3A_56 = arith.constant 128 : i32
    %dma_wait3A_57 = arith.constant 0 : i32
    %dma_wait3A_58 = tpu.memref_slice %arg9[%dma_wait3A_56, %dma_wait3A_57] : memref<512x32xf32, #tpu.memory_space<vmem>> -> memref<128x32xf32, #tpu.memory_space<vmem>>
    %dma_wait3A_59 = arith.constant 0 : i32
    %dma_wait3A_60 = tpu.memref_slice %arg8[%dma_wait3A_55, %dma_wait3A_59] : memref<4x128xi32, #tpu.memory_space<vmem>> -> memref<1x128xi32, #tpu.memory_space<vmem>>
    %dma_wait3A_61 = tpu.memref_squeeze %dma_wait3A_60 : memref<1x128xi32, #tpu.memory_space<vmem>> -> memref<128xi32, #tpu.memory_space<vmem>>
    %dma_wait3A_62 = arith.constant 0 : i32
    %dma_wait3A_63 = arith.constant 0 : i32
    %dma_wait3A_64 = tpu.memref_slice %arg2[%dma_wait3A_62, %dma_wait3A_63] : memref<8192x32xf32, #tpu.memory_space<hbm>> -> memref<8192x32xf32, #tpu.memory_space<hbm>>
    tpu.wait_indirect_dma semaphore(%arg12 : memref<!tpu.dma_semaphore, #tpu.memory_space<semaphore_mem>>) src(%dma_wait3A_64 : memref<8192x32xf32, #tpu.memory_space<hbm>>) dst(%dma_wait3A_58 : memref<128x32xf32, #tpu.memory_space<vmem>>)
    %dma_wait3A_65 = arith.constant 2 : i32
    %dma_wait3A_66 = arith.constant 256 : i32
    %dma_wait3A_67 = arith.constant 0 : i32
    %dma_wait3A_68 = tpu.memref_slice %arg9[%dma_wait3A_66, %dma_wait3A_67] : memref<512x32xf32, #tpu.memory_space<vmem>> -> memref<128x32xf32, #tpu.memory_space<vmem>>
    %dma_wait3A_69 = arith.constant 0 : i32
    %dma_wait3A_70 = tpu.memref_slice %arg8[%dma_wait3A_65, %dma_wait3A_69] : memref<4x128xi32, #tpu.memory_space<vmem>> -> memref<1x128xi32, #tpu.memory_space<vmem>>
    %dma_wait3A_71 = tpu.memref_squeeze %dma_wait3A_70 : memref<1x128xi32, #tpu.memory_space<vmem>> -> memref<128xi32, #tpu.memory_space<vmem>>
    %dma_wait3A_72 = arith.constant 0 : i32
    %dma_wait3A_73 = arith.constant 0 : i32
    %dma_wait3A_74 = tpu.memref_slice %arg2[%dma_wait3A_72, %dma_wait3A_73] : memref<8192x32xf32, #tpu.memory_space<hbm>> -> memref<8192x32xf32, #tpu.memory_space<hbm>>
    tpu.wait_indirect_dma semaphore(%arg12 : memref<!tpu.dma_semaphore, #tpu.memory_space<semaphore_mem>>) src(%dma_wait3A_74 : memref<8192x32xf32, #tpu.memory_space<hbm>>) dst(%dma_wait3A_68 : memref<128x32xf32, #tpu.memory_space<vmem>>)
    %dma_wait3A_75 = arith.constant 3 : i32
    %dma_wait3A_76 = arith.constant 384 : i32
    %dma_wait3A_77 = arith.constant 0 : i32
    %dma_wait3A_78 = tpu.memref_slice %arg9[%dma_wait3A_76, %dma_wait3A_77] : memref<512x32xf32, #tpu.memory_space<vmem>> -> memref<128x32xf32, #tpu.memory_space<vmem>>
    %dma_wait3A_79 = arith.constant 0 : i32
    %dma_wait3A_80 = tpu.memref_slice %arg8[%dma_wait3A_75, %dma_wait3A_79] : memref<4x128xi32, #tpu.memory_space<vmem>> -> memref<1x128xi32, #tpu.memory_space<vmem>>
    %dma_wait3A_81 = tpu.memref_squeeze %dma_wait3A_80 : memref<1x128xi32, #tpu.memory_space<vmem>> -> memref<128xi32, #tpu.memory_space<vmem>>
    %dma_wait3A_82 = arith.constant 0 : i32
    %dma_wait3A_83 = arith.constant 0 : i32
    %dma_wait3A_84 = tpu.memref_slice %arg2[%dma_wait3A_82, %dma_wait3A_83] : memref<8192x32xf32, #tpu.memory_space<hbm>> -> memref<8192x32xf32, #tpu.memory_space<hbm>>
    tpu.wait_indirect_dma semaphore(%arg12 : memref<!tpu.dma_semaphore, #tpu.memory_space<semaphore_mem>>) src(%dma_wait3A_84 : memref<8192x32xf32, #tpu.memory_space<hbm>>) dst(%dma_wait3A_78 : memref<128x32xf32, #tpu.memory_space<vmem>>)
    "tpu.region"() ({
      %run_scoped3A_96 = tpu.sem_alloc : memref<!tpu.dma_semaphore, #tpu.memory_space<semaphore_mem>>
      %dma_start3A_97 = arith.constant 0 : i32
      %dma_start3A_98 = tpu.memref_slice %arg6[%mul3A_2, %dma_start3A_97] : memref<16384x32xf32, #tpu.memory_space<hbm>> -> memref<512x32xf32, #tpu.memory_space<hbm>>
      %dma_start3A_99 = arith.constant 0 : i32
      %dma_start3A_100 = tpu.memref_slice %arg6[%mul3A_2, %dma_start3A_99] : memref<16384x32xf32, #tpu.memory_space<hbm>> -> memref<512x32xf32, #tpu.memory_space<hbm>>
      tpu.enqueue_dma source(%arg9 : memref<512x32xf32, #tpu.memory_space<vmem>>) target(%dma_start3A_100 : memref<512x32xf32, #tpu.memory_space<hbm>>) target_semaphore(%run_scoped3A_96 : memref<!tpu.dma_semaphore, #tpu.memory_space<semaphore_mem>>)
      %dma_wait3A_101 = arith.constant 0 : i32
      %dma_wait3A_102 = tpu.memref_slice %arg6[%mul3A_2, %dma_wait3A_101] : memref<16384x32xf32, #tpu.memory_space<hbm>> -> memref<512x32xf32, #tpu.memory_space<hbm>>
      %dma_wait3A_103 = arith.constant 0 : i32
      %dma_wait3A_104 = tpu.memref_slice %arg6[%mul3A_2, %dma_wait3A_103] : memref<16384x32xf32, #tpu.memory_space<hbm>> -> memref<512x32xf32, #tpu.memory_space<hbm>>
      tpu.wait_dma2 semaphore(%run_scoped3A_96 : memref<!tpu.dma_semaphore, #tpu.memory_space<semaphore_mem>>) src(%arg9 : memref<512x32xf32, #tpu.memory_space<vmem>>) dst(%dma_wait3A_104 : memref<512x32xf32, #tpu.memory_space<hbm>>)
      tpu.yield
    }) : () -> ()
    %barrier3A = arith.constant 0 : index
    tpu.barrier barrier_id(%barrier3A)
    %run_scoped3A = arith.constant 0 : i32
    "tpu.region"() ({
      %run_scoped3A_96 = tpu.sem_alloc : memref<!tpu.dma_semaphore, #tpu.memory_space<semaphore_mem>>
      %dma_start3A_97 = arith.constant 0 : i32
      %dma_start3A_98 = tpu.memref_slice %arg8[%run_scoped3A, %dma_start3A_97] : memref<4x128xi32, #tpu.memory_space<vmem>> -> memref<1x128xi32, #tpu.memory_space<vmem>>
      %dma_start3A_99 = tpu.memref_squeeze %dma_start3A_98 : memref<1x128xi32, #tpu.memory_space<vmem>> -> memref<128xi32, #tpu.memory_space<vmem>>
      %dma_start3A_100 = arith.constant 0 : i32
      %dma_start3A_101 = arith.constant 0 : i32
      %dma_start3A_102 = tpu.memref_slice %arg11[%dma_start3A_100, %dma_start3A_101] : memref<8192x16xf32, #tpu.memory_space<vmem_shared>> -> memref<8192x16xf32, #tpu.memory_space<vmem_shared>>
      tpu.enqueue_indirect_dma source(%arg10 : memref<128x16xf32, #tpu.memory_space<vmem>>) target(%dma_start3A_102 : memref<8192x16xf32, #tpu.memory_space<vmem_shared>>) offsets(%dma_start3A_99 : memref<128xi32, #tpu.memory_space<vmem>>) semaphore(%run_scoped3A_96 : memref<!tpu.dma_semaphore, #tpu.memory_space<semaphore_mem>>) {add = true}
      %dma_wait3A_103 = arith.constant 0 : i32
      %dma_wait3A_104 = tpu.memref_slice %arg8[%run_scoped3A, %dma_wait3A_103] : memref<4x128xi32, #tpu.memory_space<vmem>> -> memref<1x128xi32, #tpu.memory_space<vmem>>
      %dma_wait3A_105 = tpu.memref_squeeze %dma_wait3A_104 : memref<1x128xi32, #tpu.memory_space<vmem>> -> memref<128xi32, #tpu.memory_space<vmem>>
      %dma_wait3A_106 = arith.constant 0 : i32
      %dma_wait3A_107 = arith.constant 0 : i32
      %dma_wait3A_108 = tpu.memref_slice %arg11[%dma_wait3A_106, %dma_wait3A_107] : memref<8192x16xf32, #tpu.memory_space<vmem_shared>> -> memref<8192x16xf32, #tpu.memory_space<vmem_shared>>
      tpu.wait_indirect_dma semaphore(%run_scoped3A_96 : memref<!tpu.dma_semaphore, #tpu.memory_space<semaphore_mem>>) src(%arg10 : memref<128x16xf32, #tpu.memory_space<vmem>>) dst(%dma_wait3A_108 : memref<8192x16xf32, #tpu.memory_space<vmem_shared>>)
      tpu.yield
    }) : () -> ()
    %run_scoped3A_85 = arith.constant 1 : i32
    "tpu.region"() ({
      %run_scoped3A_96 = tpu.sem_alloc : memref<!tpu.dma_semaphore, #tpu.memory_space<semaphore_mem>>
      %dma_start3A_97 = arith.constant 0 : i32
      %dma_start3A_98 = tpu.memref_slice %arg8[%run_scoped3A_85, %dma_start3A_97] : memref<4x128xi32, #tpu.memory_space<vmem>> -> memref<1x128xi32, #tpu.memory_space<vmem>>
      %dma_start3A_99 = tpu.memref_squeeze %dma_start3A_98 : memref<1x128xi32, #tpu.memory_space<vmem>> -> memref<128xi32, #tpu.memory_space<vmem>>
      %dma_start3A_100 = arith.constant 0 : i32
      %dma_start3A_101 = arith.constant 0 : i32
      %dma_start3A_102 = tpu.memref_slice %arg11[%dma_start3A_100, %dma_start3A_101] : memref<8192x16xf32, #tpu.memory_space<vmem_shared>> -> memref<8192x16xf32, #tpu.memory_space<vmem_shared>>
      tpu.enqueue_indirect_dma source(%arg10 : memref<128x16xf32, #tpu.memory_space<vmem>>) target(%dma_start3A_102 : memref<8192x16xf32, #tpu.memory_space<vmem_shared>>) offsets(%dma_start3A_99 : memref<128xi32, #tpu.memory_space<vmem>>) semaphore(%run_scoped3A_96 : memref<!tpu.dma_semaphore, #tpu.memory_space<semaphore_mem>>) {add = true}
      %dma_wait3A_103 = arith.constant 0 : i32
      %dma_wait3A_104 = tpu.memref_slice %arg8[%run_scoped3A_85, %dma_wait3A_103] : memref<4x128xi32, #tpu.memory_space<vmem>> -> memref<1x128xi32, #tpu.memory_space<vmem>>
      %dma_wait3A_105 = tpu.memref_squeeze %dma_wait3A_104 : memref<1x128xi32, #tpu.memory_space<vmem>> -> memref<128xi32, #tpu.memory_space<vmem>>
      %dma_wait3A_106 = arith.constant 0 : i32
      %dma_wait3A_107 = arith.constant 0 : i32
      %dma_wait3A_108 = tpu.memref_slice %arg11[%dma_wait3A_106, %dma_wait3A_107] : memref<8192x16xf32, #tpu.memory_space<vmem_shared>> -> memref<8192x16xf32, #tpu.memory_space<vmem_shared>>
      tpu.wait_indirect_dma semaphore(%run_scoped3A_96 : memref<!tpu.dma_semaphore, #tpu.memory_space<semaphore_mem>>) src(%arg10 : memref<128x16xf32, #tpu.memory_space<vmem>>) dst(%dma_wait3A_108 : memref<8192x16xf32, #tpu.memory_space<vmem_shared>>)
      tpu.yield
    }) : () -> ()
    %run_scoped3A_86 = arith.constant 2 : i32
    "tpu.region"() ({
      %run_scoped3A_96 = tpu.sem_alloc : memref<!tpu.dma_semaphore, #tpu.memory_space<semaphore_mem>>
      %dma_start3A_97 = arith.constant 0 : i32
      %dma_start3A_98 = tpu.memref_slice %arg8[%run_scoped3A_86, %dma_start3A_97] : memref<4x128xi32, #tpu.memory_space<vmem>> -> memref<1x128xi32, #tpu.memory_space<vmem>>
      %dma_start3A_99 = tpu.memref_squeeze %dma_start3A_98 : memref<1x128xi32, #tpu.memory_space<vmem>> -> memref<128xi32, #tpu.memory_space<vmem>>
      %dma_start3A_100 = arith.constant 0 : i32
      %dma_start3A_101 = arith.constant 0 : i32
      %dma_start3A_102 = tpu.memref_slice %arg11[%dma_start3A_100, %dma_start3A_101] : memref<8192x16xf32, #tpu.memory_space<vmem_shared>> -> memref<8192x16xf32, #tpu.memory_space<vmem_shared>>
      tpu.enqueue_indirect_dma source(%arg10 : memref<128x16xf32, #tpu.memory_space<vmem>>) target(%dma_start3A_102 : memref<8192x16xf32, #tpu.memory_space<vmem_shared>>) offsets(%dma_start3A_99 : memref<128xi32, #tpu.memory_space<vmem>>) semaphore(%run_scoped3A_96 : memref<!tpu.dma_semaphore, #tpu.memory_space<semaphore_mem>>) {add = true}
      %dma_wait3A_103 = arith.constant 0 : i32
      %dma_wait3A_104 = tpu.memref_slice %arg8[%run_scoped3A_86, %dma_wait3A_103] : memref<4x128xi32, #tpu.memory_space<vmem>> -> memref<1x128xi32, #tpu.memory_space<vmem>>
      %dma_wait3A_105 = tpu.memref_squeeze %dma_wait3A_104 : memref<1x128xi32, #tpu.memory_space<vmem>> -> memref<128xi32, #tpu.memory_space<vmem>>
      %dma_wait3A_106 = arith.constant 0 : i32
      %dma_wait3A_107 = arith.constant 0 : i32
      %dma_wait3A_108 = tpu.memref_slice %arg11[%dma_wait3A_106, %dma_wait3A_107] : memref<8192x16xf32, #tpu.memory_space<vmem_shared>> -> memref<8192x16xf32, #tpu.memory_space<vmem_shared>>
      tpu.wait_indirect_dma semaphore(%run_scoped3A_96 : memref<!tpu.dma_semaphore, #tpu.memory_space<semaphore_mem>>) src(%arg10 : memref<128x16xf32, #tpu.memory_space<vmem>>) dst(%dma_wait3A_108 : memref<8192x16xf32, #tpu.memory_space<vmem_shared>>)
      tpu.yield
    }) : () -> ()
    %run_scoped3A_87 = arith.constant 3 : i32
    "tpu.region"() ({
      %run_scoped3A_96 = tpu.sem_alloc : memref<!tpu.dma_semaphore, #tpu.memory_space<semaphore_mem>>
      %dma_start3A_97 = arith.constant 0 : i32
      %dma_start3A_98 = tpu.memref_slice %arg8[%run_scoped3A_87, %dma_start3A_97] : memref<4x128xi32, #tpu.memory_space<vmem>> -> memref<1x128xi32, #tpu.memory_space<vmem>>
      %dma_start3A_99 = tpu.memref_squeeze %dma_start3A_98 : memref<1x128xi32, #tpu.memory_space<vmem>> -> memref<128xi32, #tpu.memory_space<vmem>>
      %dma_start3A_100 = arith.constant 0 : i32
      %dma_start3A_101 = arith.constant 0 : i32
      %dma_start3A_102 = tpu.memref_slice %arg11[%dma_start3A_100, %dma_start3A_101] : memref<8192x16xf32, #tpu.memory_space<vmem_shared>> -> memref<8192x16xf32, #tpu.memory_space<vmem_shared>>
      tpu.enqueue_indirect_dma source(%arg10 : memref<128x16xf32, #tpu.memory_space<vmem>>) target(%dma_start3A_102 : memref<8192x16xf32, #tpu.memory_space<vmem_shared>>) offsets(%dma_start3A_99 : memref<128xi32, #tpu.memory_space<vmem>>) semaphore(%run_scoped3A_96 : memref<!tpu.dma_semaphore, #tpu.memory_space<semaphore_mem>>) {add = true}
      %dma_wait3A_103 = arith.constant 0 : i32
      %dma_wait3A_104 = tpu.memref_slice %arg8[%run_scoped3A_87, %dma_wait3A_103] : memref<4x128xi32, #tpu.memory_space<vmem>> -> memref<1x128xi32, #tpu.memory_space<vmem>>
      %dma_wait3A_105 = tpu.memref_squeeze %dma_wait3A_104 : memref<1x128xi32, #tpu.memory_space<vmem>> -> memref<128xi32, #tpu.memory_space<vmem>>
      %dma_wait3A_106 = arith.constant 0 : i32
      %dma_wait3A_107 = arith.constant 0 : i32
      %dma_wait3A_108 = tpu.memref_slice %arg11[%dma_wait3A_106, %dma_wait3A_107] : memref<8192x16xf32, #tpu.memory_space<vmem_shared>> -> memref<8192x16xf32, #tpu.memory_space<vmem_shared>>
      tpu.wait_indirect_dma semaphore(%run_scoped3A_96 : memref<!tpu.dma_semaphore, #tpu.memory_space<semaphore_mem>>) src(%arg10 : memref<128x16xf32, #tpu.memory_space<vmem>>) dst(%dma_wait3A_108 : memref<8192x16xf32, #tpu.memory_space<vmem_shared>>)
      tpu.yield
    }) : () -> ()
    %barrier3A_88 = arith.constant 0 : index
    tpu.barrier barrier_id(%barrier3A_88)
    %mul3A_89 = arith.constant 512 : i32
    %mul3A_90 = arith.muli %arg1, %mul3A_89 : i32
    %mul3A_91 = arith.constant 8192 : i32
    %mul3A_92 = arith.muli %arg0, %mul3A_91 : i32
    %mul3A_93 = arith.constant 512 : i32
    %mul3A_94 = arith.muli %arg1, %mul3A_93 : i32
    %add3A_95 = arith.addi %mul3A_92, %mul3A_94 : i32
    "tpu.region"() ({
      %run_scoped3A_96 = tpu.sem_alloc : memref<!tpu.dma_semaphore, #tpu.memory_space<semaphore_mem>>
      %dma_start3A_97 = arith.constant 0 : i32
      %dma_start3A_98 = tpu.memref_slice %arg7[%add3A_95, %dma_start3A_97] : memref<16384x16xf32, #tpu.memory_space<hbm>> -> memref<512x16xf32, #tpu.memory_space<hbm>>
      %dma_start3A_99 = arith.constant 0 : i32
      %dma_start3A_100 = tpu.memref_slice %arg11[%mul3A_90, %dma_start3A_99] : memref<8192x16xf32, #tpu.memory_space<vmem_shared>> -> memref<512x16xf32, #tpu.memory_space<vmem_shared>>
      tpu.enqueue_dma source(%dma_start3A_100 : memref<512x16xf32, #tpu.memory_space<vmem_shared>>) target(%dma_start3A_98 : memref<512x16xf32, #tpu.memory_space<hbm>>) target_semaphore(%run_scoped3A_96 : memref<!tpu.dma_semaphore, #tpu.memory_space<semaphore_mem>>)
      %dma_wait3A_101 = arith.constant 0 : i32
      %dma_wait3A_102 = tpu.memref_slice %arg7[%add3A_95, %dma_wait3A_101] : memref<16384x16xf32, #tpu.memory_space<hbm>> -> memref<512x16xf32, #tpu.memory_space<hbm>>
      %dma_wait3A_103 = arith.constant 0 : i32
      %dma_wait3A_104 = tpu.memref_slice %arg11[%mul3A_90, %dma_wait3A_103] : memref<8192x16xf32, #tpu.memory_space<vmem_shared>> -> memref<512x16xf32, #tpu.memory_space<vmem_shared>>
      tpu.wait_dma2 semaphore(%run_scoped3A_96 : memref<!tpu.dma_semaphore, #tpu.memory_space<semaphore_mem>>) src(%dma_wait3A_104 : memref<512x16xf32, #tpu.memory_space<vmem_shared>>) dst(%dma_wait3A_102 : memref<512x16xf32, #tpu.memory_space<hbm>>)
      tpu.yield
    }) : () -> ()
    return
  }
}

module attributes {stable_mosaic.version = 14 : i64} {
  func.func @_argmin_body(%arg0: i32, %arg1: memref<512x32xf32, #tpu.memory_space<vmem>>, %arg2: memref<32x8192xf32, #tpu.memory_space<vmem>>, %arg3: memref<512xi32, #tpu.memory_space<vmem>>, %arg4: memref<1x8192xf32, #tpu.memory_space<vmem>>, %arg5: memref<1x8192xf32, #tpu.memory_space<vmem>>) attributes {dimension_semantics = [#tpu.dimension_semantics<arbitrary>], iteration_bounds = array<i64: 32>, scalar_prefetch = 0 : i64, scratch_operands = 2 : i64, tpu.core_type = #tpu.core_type<tc>, window_params = [{transform_indices = @transform_0, window_bounds = array<i64: 512, 32>}, {pipeline_mode = #tpu.pipeline_mode<synchronous>, transform_indices = @transform_1, window_bounds = array<i64: 32, 8192>}, {transform_indices = @transform_2, window_bounds = array<i64: 512>}]} {
    %eq3A = arith.constant 0 : i32
    %eq3A_0 = arith.cmpi eq, %arg0, %eq3A : i32
    %convert_element_type3A = arith.extui %eq3A_0 : i1 to i32
    %cond3A = arith.constant 0 : i32
    %cond3A_1 = arith.cmpi ne, %convert_element_type3A, %cond3A : i32
    scf.if %cond3A_1 {
      %get3A_55 = arith.constant 0 : index
      %get3A_56 = arith.constant 0 : index
      %get3A_57 = vector.load %arg2[%get3A_55, %get3A_56] : memref<32x8192xf32, #tpu.memory_space<vmem>>, vector<32x8192xf32>
      %mul3A_58 = arith.mulf %get3A_57, %get3A_57 : vector<32x8192xf32>
      %reduce_sum3A_59 = arith.constant dense<0.000000e+00> : vector<8192xf32>
      %reduce_sum3A_60 = vector.multi_reduction <add>, %mul3A_58, %reduce_sum3A_59 [0] : vector<32x8192xf32> to vector<8192xf32>
      %broadcast_in_dim3A_61 = vector.shape_cast %reduce_sum3A_60 : vector<8192xf32> to vector<1x8192xf32>
      %swap3A_62 = arith.constant 0 : index
      %swap3A_63 = arith.constant 0 : index
      %swap3A_64 = vector.load %arg4[%swap3A_62, %swap3A_63] : memref<1x8192xf32, #tpu.memory_space<vmem>>, vector<1x8192xf32>
      tpu.vector_store %arg4[%swap3A_62, %swap3A_63], %broadcast_in_dim3A_61 {strides = array<i32>} : memref<1x8192xf32, #tpu.memory_space<vmem>>, vector<1x8192xf32>,
      %iota3A = tpu.iota {dimensions = array<i32: 1>} : vector<1x8192xi32>
      %convert_element_type3A_65 = arith.sitofp %iota3A : vector<1x8192xi32> to vector<1x8192xf32>
      %swap3A_66 = arith.constant 0 : index
      %swap3A_67 = arith.constant 0 : index
      %swap3A_68 = vector.load %arg5[%swap3A_66, %swap3A_67] : memref<1x8192xf32, #tpu.memory_space<vmem>>, vector<1x8192xf32>
      tpu.vector_store %arg5[%swap3A_66, %swap3A_67], %convert_element_type3A_65 {strides = array<i32>} : memref<1x8192xf32, #tpu.memory_space<vmem>>, vector<1x8192xf32>,
    } else {
    }
    %get3A = arith.constant 0 : index
    %get3A_2 = arith.constant 0 : index
    %get3A_3 = vector.load %arg1[%get3A, %get3A_2] : memref<512x32xf32, #tpu.memory_space<vmem>>, vector<512x32xf32>
    %get3A_4 = arith.constant 0 : index
    %get3A_5 = arith.constant 0 : index
    %get3A_6 = vector.load %arg2[%get3A_4, %get3A_5] : memref<32x8192xf32, #tpu.memory_space<vmem>>, vector<32x8192xf32>
    %mul3A = arith.mulf %get3A_3, %get3A_3 : vector<512x32xf32>
    %reduce_sum3A = arith.constant dense<0.000000e+00> : vector<512xf32>
    %reduce_sum3A_7 = vector.multi_reduction <add>, %mul3A, %reduce_sum3A [1] : vector<512x32xf32> to vector<512xf32>
    %broadcast_in_dim3A = vector.shape_cast %reduce_sum3A_7 : vector<512xf32> to vector<512x1xf32>
    %get3A_8 = arith.constant 0 : index
    %get3A_9 = arith.constant 0 : index
    %get3A_10 = vector.load %arg4[%get3A_8, %get3A_9] : memref<1x8192xf32, #tpu.memory_space<vmem>>, vector<1x8192xf32>
    %add3A = vector.broadcast %broadcast_in_dim3A : vector<512x1xf32> to vector<512x8192xf32>
    %add3A_11 = vector.broadcast %get3A_10 : vector<1x8192xf32> to vector<512x8192xf32>
    %add3A_12 = arith.addf %add3A, %add3A_11 : vector<512x8192xf32>
    %mul3A_13 = arith.constant -2.000000e+00 : f32
    %mul3A_14 = vector.broadcast %mul3A_13 : f32 to vector<512x32xf32>
    %mul3A_15 = arith.mulf %get3A_3, %mul3A_14 : vector<512x32xf32>
    %convert_element_type3A_16 = arith.truncf %mul3A_15 : vector<512x32xf32> to vector<512x32xbf16>
    %convert_element_type3A_17 = arith.truncf %get3A_6 : vector<32x8192xf32> to vector<32x8192xbf16>
    %dot_general3A = arith.constant dense<0.000000e+00> : vector<512x8192xf32>
    %dot_general3A_18 = tpu.matmul %convert_element_type3A_16, %convert_element_type3A_17, %dot_general3A {dimension_numbers = #tpu.dot_dimension_numbers<[1], [0], [0], [1], [0, 0, 1, 1], [], []>, transpose_lhs_hint = false} : vector<512x32xbf16>, vector<32x8192xbf16>, vector<512x8192xf32> -> vector<512x8192xf32>
    %add3A_19 = arith.addf %add3A_12, %dot_general3A_18 : vector<512x8192xf32>
    %slice3A = vector.extract_strided_slice %add3A_19 {offsets = [0, 0], sizes = [512, 4096], strides = [1, 1]} : vector<512x8192xf32> to vector<512x4096xf32>
    %reduce_min3A = arith.constant dense<0x7F800000> : vector<512xf32>
    %reduce_min3A_20 = vector.multi_reduction <minimumf>, %slice3A, %reduce_min3A [1] : vector<512x4096xf32> to vector<512xf32>
    %broadcast_in_dim3A_21 = vector.shape_cast %reduce_min3A_20 : vector<512xf32> to vector<512x1xf32>
    %get3A_22 = arith.constant 0 : index
    %get3A_23 = arith.constant 0 : index
    %get3A_24 = vector.load %arg5[%get3A_22, %get3A_23] : memref<1x8192xf32, #tpu.memory_space<vmem>>, vector<1x4096xf32>
    %eq3A_25 = vector.broadcast %broadcast_in_dim3A_21 : vector<512x1xf32> to vector<512x4096xf32>
    %eq3A_26 = arith.cmpf oeq, %slice3A, %eq3A_25 : vector<512x4096xf32>
    %jit3A = arith.constant 1.000000e+09 : f32
    %broadcast_in_dim3A_27 = vector.shape_cast %get3A_24 : vector<1x4096xf32> to vector<1x4096xf32>
    %broadcast_in_dim3A_28 = vector.broadcast %broadcast_in_dim3A_27 : vector<1x4096xf32> to vector<512x4096xf32>
    %broadcast_in_dim3A_29 = vector.broadcast %jit3A : f32 to vector<512x4096xf32>
    %select_n3A = arith.select %eq3A_26, %broadcast_in_dim3A_28, %broadcast_in_dim3A_29 : vector<512x4096xi1>, vector<512x4096xf32>
    %reduce_min3A_30 = arith.constant dense<0x7F800000> : vector<512xf32>
    %reduce_min3A_31 = vector.multi_reduction <minimumf>, %select_n3A, %reduce_min3A_30 [1] : vector<512x4096xf32> to vector<512xf32>
    %broadcast_in_dim3A_32 = vector.shape_cast %reduce_min3A_31 : vector<512xf32> to vector<512x1xf32>
    %slice3A_33 = vector.extract_strided_slice %add3A_19 {offsets = [0, 4096], sizes = [512, 4096], strides = [1, 1]} : vector<512x8192xf32> to vector<512x4096xf32>
    %reduce_min3A_34 = arith.constant dense<0x7F800000> : vector<512xf32>
    %reduce_min3A_35 = vector.multi_reduction <minimumf>, %slice3A_33, %reduce_min3A_34 [1] : vector<512x4096xf32> to vector<512xf32>
    %broadcast_in_dim3A_36 = vector.shape_cast %reduce_min3A_35 : vector<512xf32> to vector<512x1xf32>
    %get3A_37 = arith.constant 0 : index
    %get3A_38 = arith.constant 4096 : index
    %get3A_39 = vector.load %arg5[%get3A_37, %get3A_38] : memref<1x8192xf32, #tpu.memory_space<vmem>>, vector<1x4096xf32>
    %eq3A_40 = vector.broadcast %broadcast_in_dim3A_36 : vector<512x1xf32> to vector<512x4096xf32>
    %eq3A_41 = arith.cmpf oeq, %slice3A_33, %eq3A_40 : vector<512x4096xf32>
    %jit3A_42 = arith.constant 1.000000e+09 : f32
    %broadcast_in_dim3A_43 = vector.shape_cast %get3A_39 : vector<1x4096xf32> to vector<1x4096xf32>
    %broadcast_in_dim3A_44 = vector.broadcast %broadcast_in_dim3A_43 : vector<1x4096xf32> to vector<512x4096xf32>
    %broadcast_in_dim3A_45 = vector.broadcast %jit3A_42 : f32 to vector<512x4096xf32>
    %select_n3A_46 = arith.select %eq3A_41, %broadcast_in_dim3A_44, %broadcast_in_dim3A_45 : vector<512x4096xi1>, vector<512x4096xf32>
    %reduce_min3A_47 = arith.constant dense<0x7F800000> : vector<512xf32>
    %reduce_min3A_48 = vector.multi_reduction <minimumf>, %select_n3A_46, %reduce_min3A_47 [1] : vector<512x4096xf32> to vector<512xf32>
    %broadcast_in_dim3A_49 = vector.shape_cast %reduce_min3A_48 : vector<512xf32> to vector<512x1xf32>
    %convert_element_type3A_50 = arith.truncf %broadcast_in_dim3A_21 : vector<512x1xf32> to vector<512x1xbf16>
    %convert_element_type3A_51 = arith.extf %convert_element_type3A_50 : vector<512x1xbf16> to vector<512x1xf32>
    %lt3A = arith.cmpf olt, %broadcast_in_dim3A_36, %convert_element_type3A_51 : vector<512x1xf32>
    %select_n3A_52 = arith.select %lt3A, %broadcast_in_dim3A_49, %broadcast_in_dim3A_32 : vector<512x1xi1>, vector<512x1xf32>
    %reshape3A = vector.shape_cast %select_n3A_52 : vector<512x1xf32> to vector<512xf32>
    %convert_element_type3A_53 = arith.fptosi %reshape3A : vector<512xf32> to vector<512xi32>
    %swap3A = arith.constant 0 : index
    %swap3A_54 = vector.load %arg3[%swap3A] : memref<512xi32, #tpu.memory_space<vmem>>, vector<512xi32>
    tpu.vector_store %arg3[%swap3A], %convert_element_type3A_53 {strides = array<i32>} : memref<512xi32, #tpu.memory_space<vmem>>, vector<512xi32>,
    return
  }
  func.func @transform_0(%arg0: i32) -> (i32, i32) {
    %c0_i32 = arith.constant 0 : i32
    %c0_i32_0 = arith.constant 0 : i32
    return %arg0, %c0_i32 : i32, i32
  }
  func.func @transform_1(%arg0: i32) -> (i32, i32) {
    %c0_i32 = arith.constant 0 : i32
    %c0_i32_0 = arith.constant 0 : i32
    %c0_i32_1 = arith.constant 0 : i32
    return %c0_i32, %c0_i32_0 : i32, i32
  }
  func.func @transform_2(%arg0: i32) -> i32 {
    %c0_i32 = arith.constant 0 : i32
    return %arg0 : i32
  }
}

module attributes {stable_mosaic.version = 14 : i64} {
  func.func @_final_body(%arg0: memref<16384x32xf32, #tpu.memory_space<vmem>>, %arg1: memref<16384x32xf32, #tpu.memory_space<vmem>>, %arg2: memref<2x8192xf32, #tpu.memory_space<vmem>>, %arg3: memref<16384x32xf32, #tpu.memory_space<vmem>>, %arg4: memref<1x1xf32, #tpu.memory_space<vmem>>, %arg5: memref<1x1xf32, #tpu.memory_space<vmem>>) attributes {dimension_semantics = [], scalar_prefetch = 0 : i64, scratch_operands = 0 : i64, tpu.core_type = #tpu.core_type<tc>} {
    %get3A = arith.constant 0 : index
    %get3A_0 = arith.constant 0 : index
    %get3A_1 = vector.load %arg0[%get3A, %get3A_0] : memref<16384x32xf32, #tpu.memory_space<vmem>>, vector<16384x32xf32>
    %get3A_2 = arith.constant 0 : index
    %get3A_3 = arith.constant 0 : index
    %get3A_4 = vector.load %arg1[%get3A_2, %get3A_3] : memref<16384x32xf32, #tpu.memory_space<vmem>>, vector<16384x32xf32>
    %sub3A = arith.subf %get3A_4, %get3A_1 : vector<16384x32xf32>
    %add3A = arith.addf %get3A_1, %sub3A : vector<16384x32xf32>
    %swap3A = arith.constant 0 : index
    %swap3A_5 = arith.constant 0 : index
    %swap3A_6 = vector.load %arg3[%swap3A, %swap3A_5] : memref<16384x32xf32, #tpu.memory_space<vmem>>, vector<16384x32xf32>
    tpu.vector_store %arg3[%swap3A, %swap3A_5], %add3A {strides = array<i32>} : memref<16384x32xf32, #tpu.memory_space<vmem>>, vector<16384x32xf32>,
    %mul3A = arith.mulf %sub3A, %sub3A : vector<16384x32xf32>
    %reduce_sum3A = vector.shape_cast %mul3A : vector<16384x32xf32> to vector<1x16384x32xf32>
    %reduce_sum3A_7 = arith.constant dense<0.000000e+00> : vector<1xf32>
    %reduce_sum3A_8 = vector.multi_reduction <add>, %reduce_sum3A, %reduce_sum3A_7 [1, 2] : vector<1x16384x32xf32> to vector<1xf32>
    %reduce_sum3A_9 = vector.shape_cast %reduce_sum3A_8 : vector<1xf32> to vector<1x1x1xf32>
    %reduce_sum3A_10 = vector.extract %reduce_sum3A_9[0, 0, 0] : f32 from vector<1x1x1xf32>
    %mul3A_11 = arith.constant 1.90734863E-6 : f32
    %mul3A_12 = arith.mulf %reduce_sum3A_10, %mul3A_11 : f32
    %mul3A_13 = arith.constant 2.500000e-01 : f32
    %mul3A_14 = arith.mulf %mul3A_13, %mul3A_12 : f32
    %reshape3A = vector.broadcast %mul3A_14 : f32 to vector<1x1xf32>
    %swap3A_15 = arith.constant 0 : index
    %swap3A_16 = arith.constant 0 : index
    %swap3A_17 = vector.load %arg4[%swap3A_15, %swap3A_16] : memref<1x1xf32, #tpu.memory_space<vmem>>, vector<1x1xf32>
    tpu.vector_store %arg4[%swap3A_15, %swap3A_16], %reshape3A {strides = array<i32>} : memref<1x1xf32, #tpu.memory_space<vmem>>, vector<1x1xf32>,
    %get3A_18 = arith.constant 0 : index
    %get3A_19 = arith.constant 0 : index
    %get3A_20 = vector.load %arg2[%get3A_18, %get3A_19] : memref<2x8192xf32, #tpu.memory_space<vmem>>, vector<1x8192xf32>
    %get3A_21 = arith.constant 1 : index
    %get3A_22 = arith.constant 0 : index
    %get3A_23 = vector.load %arg2[%get3A_21, %get3A_22] : memref<2x8192xf32, #tpu.memory_space<vmem>>, vector<1x8192xf32>
    %add3A_24 = arith.addf %get3A_20, %get3A_23 : vector<1x8192xf32>
    %mul3A_25 = arith.constant 6.10351563E-5 : f32
    %mul3A_26 = vector.broadcast %mul3A_25 : f32 to vector<1x8192xf32>
    %mul3A_27 = arith.mulf %add3A_24, %mul3A_26 : vector<1x8192xf32>
    %add3A_28 = arith.constant 1.000000e-10 : f32
    %add3A_29 = vector.broadcast %add3A_28 : f32 to vector<1x8192xf32>
    %add3A_30 = arith.addf %mul3A_27, %add3A_29 : vector<1x8192xf32>
    %log3A = math.log %add3A_30 : vector<1x8192xf32>
    %mul3A_31 = arith.mulf %mul3A_27, %log3A : vector<1x8192xf32>
    %reduce_sum3A_32 = vector.shape_cast %mul3A_31 : vector<1x8192xf32> to vector<1x1x8192xf32>
    %reduce_sum3A_33 = arith.constant dense<0.000000e+00> : vector<1xf32>
    %reduce_sum3A_34 = vector.multi_reduction <add>, %reduce_sum3A_32, %reduce_sum3A_33 [1, 2] : vector<1x1x8192xf32> to vector<1xf32>
    %reduce_sum3A_35 = vector.shape_cast %reduce_sum3A_34 : vector<1xf32> to vector<1x1x1xf32>
    %reduce_sum3A_36 = vector.extract %reduce_sum3A_35[0, 0, 0] : f32 from vector<1x1x1xf32>
    %neg3A = arith.constant 0.000000e+00 : f32
    %neg3A_37 = arith.subf %neg3A, %reduce_sum3A_36 : f32
    %exp3A = math.exp %neg3A_37 : f32
    %reshape3A_38 = vector.broadcast %exp3A : f32 to vector<1x1xf32>
    %swap3A_39 = arith.constant 0 : index
    %swap3A_40 = arith.constant 0 : index
    %swap3A_41 = vector.load %arg5[%swap3A_39, %swap3A_40] : memref<1x1xf32, #tpu.memory_space<vmem>>, vector<1x1xf32>
    tpu.vector_store %arg5[%swap3A_39, %swap3A_40], %reshape3A_38 {strides = array<i32>} : memref<1x1xf32, #tpu.memory_space<vmem>>, vector<1x1xf32>,
    return
  }
}

</mosaic_0001>

<sc_bundles>
// kernel: kernel.5.cloned.1.call-start
scs
__scs_entry_jumppad:
0x0: {  	(pc) =	sbr.rel $0x88, $3  }
0x1: {  	(tag) =	ssettag $0x0;
	lr =	simm.s32 $0x1  }
0x2: {  	[smem:$0x3F9F] =	sst lr;
	_ =	strace $0xD0000000  }
0x3: {  	_ = 	snop  }
0x4: {  	_ = 	snop  }
0x5: {  	_ = 	snop  }
0x6: {  	_ = 	snop  }
0x7: {  	_ = 	snop  }
__scs_overlays_trampoline_lowered:
0x8: {  	[smem:$0x3FAE] =	sst s0  }
0x9: {  	[smem:$0x3FAF] =	sst s1  }
0xa: {  	[smem:$0x3FB0] =	sst s2  }
0xb: {  	[smem:$0x3FB1] =	sst s3  }
0xc: {  	[smem:$0x3FB2] =	sst s4  }
0xd: {  	[smem:$0x3FB3] =	sst s5  }
0xe: {  	[smem:$0x3FB4] =	sst s6  }
0xf: {  	[smem:$0x3FB5] =	sst s7  }
0x10: {  	[smem:$0x3FB6] =	sst s8  }
0x11: {  	[smem:$0x3FB7] =	sst s9;
	s0 =	simm.s32 @!p0 $0x0  }
0x12: {  	s1 =	sld [smem:$0x3F9D];
	s0 =	simm.s32 @p0 $0x1  }
0x13: {  	[smem:$0x3FB8] =	sst s0;
	s0 =	simm.s32 @!p1 $0x0  }
0x14: {  	s2 =	sld [smem:$0x3F9C];
	s0 =	simm.s32 @p1 $0x1  }
0x15: {  	[smem:$0x3FB9] =	sst s0;
	s0 =	simm.s32 @!p2 $0x0  }
0x16: {  	s3 =	sld [smem:$0x3FDB];
	s0 =	simm.s32 @p2 $0x1  }
0x17: {  	s4 =	simm.s32 $0x1BF5;
	[smem:$0x3FBB] =	sst s0  }
0x18: {  	s0 =	sld [smem:$0x3F9E];
	_ =	swait.ge [sflag:s4], $0x0  }
0x19: {  	s7 =	sld [smem:$0x3F9F]  }
0x1a: {  	s8 =	sadd.s32 $0xFFFFE003, lr  }
0x1b: {  	s9 =	sadd.s32 $0xFFFFFEF7, lr;
	s5 =	simm.s32 $0xFFFFFFFF;
	p2 =	slt.u32 s8, $0xFFFFF086  }
0x1c: {  	p1 =	slt.u32 s9, $0xF7A;
	s5 =	simm.s32 @!p2 $0x0  }
0x1d: {  	s5 =	simm.s32 @p1 $0x1;
	p0 =	seq.s32 s7, s2  }
0x1e: {  	s7 =	smul.u32 @!p0 $0xF7A, s2;
	p2 =	seq.s32 @!p0 s5, $0x0  }
0x1f: {  	s9 =	smul.u32 $0xF7A, s1;
	s8 =	simm.s32 @!p0 $0x1BF5;
	p2 =	por !p2, p0  }
0x20: {  	[sflag:s8] =	ssyncset.s32 @!p0 $0xFFFFF086;
	s6 =	sadd.s32 @!p0 s3, s7;
	s7 =	simm.s32 @!p0 $0x108  }
0x21: {  	s3 =	sadd.s32 s3, s9;
	s6 =	sadd.s32 @!p0 $0x88, s6;
	s7 =	simm.s32 @p2 $0x1082  }
0x22: {  	[simem:s7], [sflag:s8] =	dma.local @!p0 [hbm:s6], $0xF7A  }
0x23: {  	s9 =	sor.u32 $0xD0000000, s2;
	s6 =	simm.s32 $0x108;
	_ =	swait.ge @!p0 [sflag:s8], $0x0  }
0x24: {  	s3 =	sadd.s32 $0x88, s3;
	s6 =	simm.s32 @!p1 $0x1082;
	[sflag:s4] =	ssyncset.s32 $0xFFFFF086  }
0x25: {  	[simem:s6], [sflag:s4] =	dma.local [hbm:s3], $0xF7A  }
0x26: {  	[smem:$0x3F9F] =	sst s1;
	(tag) =	ssettag s2;
	_ =	strace s9  }
0x27: {  	s1 =	sld [smem:$0x3FAF]  }
0x28: {  	s2 =	sld [smem:$0x3FB0]  }
0x29: {  	s4 =	sld [smem:$0x3FB2]  }
0x2a: {  	p0 =	seq.s32 s5, $0x0;
	s5 =	sld [smem:$0x3FB3]  }
0x2b: {  	s6 =	sld [smem:$0x3FB4]  }
0x2c: {  	s7 =	sld [smem:$0x3FB5]  }
0x2d: {  	s3 =	simm.s32 $0x108;
	s8 =	sld [smem:$0x3FB6]  }
0x2e: {  	s3 =	simm.s32 @!p0 $0x1082;
	s9 =	sld [smem:$0x3FB7]  }
0x2f: {  	lr =	sadd.s32 s0, s3;
	s0 =	sld [smem:$0x3FAE]  }
0x30: {  	s3 =	sld [smem:$0x3FB1]  }
0x31: {  	[smem:$0x3FBA] =	sst s10  }
0x32: {  	s10 =	sld [smem:$0x3FB8];
	_ =	sdelay $0x3  }
0x33: {  	p0 =	seq.s32 s10, $0x1;
	s10 =	sld [smem:$0x3FBA];
	_ =	sdelay $0x3  }
0x34: {  	[smem:$0x3FBA] =	sst s10  }
0x35: {  	s10 =	sld [smem:$0x3FB9];
	_ =	sdelay $0x3  }
0x36: {  	p1 =	seq.s32 s10, $0x1;
	s10 =	sld [smem:$0x3FBA];
	_ =	sdelay $0x3  }
0x37: {  	[smem:$0x3FBA] =	sst s10  }
0x38: {  	s10 =	sld [smem:$0x3FBB]  }
0x39: {  	_ = 	snop;
	(pc) =	sbr.ind lr, $3  }
0x3a: {  	_ = 	snop  }
0x3b: {  	_ = 	snop  }
0x3c: {  	p2 =	seq.s32 s10, $0x1;
	s10 =	sld [smem:$0x3FBA]  }
0x3d: {  	_ =	shalt  }
0x3e: {  	_ =	shalt  }
0x3f: {  	_ =	shalt  }
0x40: {  	_ =	shalt  }
0x41: {  	_ =	shalt  }
0x42: {  	_ =	shalt  }
0x43: {  	_ =	shalt  }
0x44: {  	_ =	shalt  }
0x45: {  	_ =	shalt  }
0x46: {  	_ =	shalt  }
0x47: {  	_ =	shalt  }
0x48: {  	_ =	shalt  }
0x49: {  	_ =	shalt  }
0x4a: {  	_ =	shalt  }
0x4b: {  	_ =	shalt  }
0x4c: {  	_ =	shalt  }
0x4d: {  	_ =	shalt  }
0x4e: {  	_ =	shalt  }
0x4f: {  	_ =	shalt  }
0x50: {  	_ =	shalt  }
0x51: {  	_ =	shalt  }
0x52: {  	_ =	shalt  }
0x53: {  	_ =	shalt  }
0x54: {  	_ =	shalt  }
0x55: {  	_ =	shalt  }
0x56: {  	_ =	shalt  }
0x57: {  	_ =	shalt  }
0x58: {  	_ =	shalt  }
0x59: {  	_ =	shalt  }
0x5a: {  	_ =	shalt  }
0x5b: {  	_ =	shalt  }
0x5c: {  	_ =	shalt  }
0x5d: {  	_ =	shalt  }
0x5e: {  	_ =	shalt  }
0x5f: {  	_ =	shalt  }
0x60: {  	_ =	shalt  }
0x61: {  	_ =	shalt  }
0x62: {  	_ =	shalt  }
0x63: {  	_ =	shalt  }
0x64: {  	_ =	shalt  }
0x65: {  	_ =	shalt  }
0x66: {  	_ =	shalt  }
0x67: {  	_ =	shalt  }
0x68: {  	_ =	shalt  }
0x69: {  	_ =	shalt  }
0x6a: {  	_ =	shalt  }
0x6b: {  	_ =	shalt  }
0x6c: {  	_ =	shalt  }
0x6d: {  	_ =	shalt  }
0x6e: {  	_ =	shalt  }
0x6f: {  	_ =	shalt  }
0x70: {  	_ =	shalt  }
0x71: {  	_ =	shalt  }
0x72: {  	_ =	shalt  }
0x73: {  	_ =	shalt  }
0x74: {  	_ =	shalt  }
0x75: {  	_ =	shalt  }
0x76: {  	_ =	shalt  }
0x77: {  	_ =	shalt  }
0x78: {  	_ =	shalt  }
0x79: {  	_ =	shalt  }
0x7a: {  	_ =	shalt  }
0x7b: {  	_ =	shalt  }
0x7c: {  	_ =	shalt  }
0x7d: {  	_ =	shalt  }
0x7e: {  	_ =	shalt  }
0x7f: {  	_ =	shalt  }
0x80: {  	_ =	shalt  }
0x81: {  	_ =	shalt  }
0x82: {  	_ =	shalt  }
0x83: {  	_ =	shalt  }
0x84: {  	_ =	shalt  }
0x85: {  	_ =	shalt  }
0x86: {  	_ =	shalt  }
0x87: {  	_ =	shalt  }
.Lfunc_end0:
.L_simem_size_0:
called_computation_lowered:
.L_overlay_start_0:
0x88: {  	s2 =	sld [smem:$0x3FD9]  }
0x89: {  	s3 =	sld [smem:$0x3FFE];
	_ =	sdelay $0x1  }
0x8a: {  	s1 =	srdreg.scid  }
0x8b: {  	s0 =	sand.u32 $0x1, s1  }
0x8c: {  	s14 =	sshll.u32 s0, $0xA;
	s2 =	sadd.s32 s3, s2  }
0x8d: {  	s2 =	sadd.s32 s2, s14  }
0x8e: {  	[smem:$0x3FC6] =	sst s2  }
0x8f: {  	_ = 	snop  }
0x90: {  	s2 =	sld [smem:$0x3FD0];
	_ =	sdelay $0x2  }
0x91: {  	s15 =	simm.s32 $0xA;
	s4 =	simm.s32 $0x10  }
0x92: {  	[smem:s4], [sflag:s15] =	dma.local [hbm:s2], $0x1  }
0x93: {  	_ =	swait.eq [sflag:s15], $0x1  }
0x94: {  	[sflag:s15] =	ssyncset.done $0x0  }
0x95: {  	s16 =	sld [smem:$0x10];
	[sflag:s15] =	ssyncadd.s32 $0xFFFFFFFF  }
0x96: {  	s17 =	sld [smem:$0x12];
	(tm) =	ssettm $0x1  }
0x97: {  	s18 =	sld [smem:$0x3FFB];
	_ =	sdelay $0x3  }
0x98: {  	_ =	strace s18  }
0x99: {  	s4 =	sld [smem:$0x3FFC];
	_ =	sdelay $0x3  }
0x9a: {  	_ =	strace s4  }
0x9b: {  	s4 =	sld [smem:$0x3FFD];
	_ =	sdelay $0x3  }
0x9c: {  	_ =	strace s4  }
0x9d: {  	_ =	strace $0x8FFFFFFF  }
0x9e: {  	s19 =	sld [smem:$0x3FDB];
	_ =	sdelay $0x1  }
0x9f: {  	s5 =	simm.s32 $_scs_section_size  }
0xa0: {  	s6 =	simm.s32 $_size__tile_overlayer_lowered;
	s7 =	simm.s32 $_tile_overlayer_lowered  }
0xa1: {  	s22 =	simm.s32 $0x1BFF;
	s21 =	sshll.u32 s7, $0x1;
	s4 =	sadd.s32 s5, s19  }
0xa2: {  	s8 =	simm.s32 $0x0;
	s20 =	sshll.u32 s6, $0x1;
	s6 =	sadd.s32 s21, s4  }
0xa3: {  	[timem:s8], [sflag:s22] =	dma.local [hbm:s6], s20  }
0xa4: {  	_ =	swait.ge [sflag:s22], s20  }
0xa5: {  	s5 =	ssub.s32 $0x0, s20;
	[sflag:s22] =	ssyncset.done $0x0  }
0xa6: {  	[sflag:s22] =	ssyncadd.s32 s5;
	_ =	sdelay $0x1  }
0xa7: {  	s23 =	simm.s32 $0x1B8B  }
0xa8: {  	_ =	swait.ge [sflag:s23], $0x1  }
0xa9: {  	[sflag:s23] =	ssyncset.done $0x0  }
0xaa: {  	s25 =	simm.s32 $0x1B8E;
	s24 =	sld [smem:$0x3FFE];
	[sflag:s23] =	ssyncadd.s32 $0xFFFFFFFF  }
0xab: {  	s26 =	simm.s32 $execute0_lowered;
	[smem:$0x3FD2] =	sst s25  }
0xac: {  	s6 =	sshll.u32 s26, $0x1;
	_ =	strace $0x80000046;
	[dreg:$0x1] =	wrdreg $0xFFFFFFFF  }
0xad: {  	s28 =	simm.s32 $_size_execute0_lowered;
	s4 =	sadd.s32 s4, s6;
	[dreg:$0x0] =	wrdreg $0x0  }
0xae: {  	s6 =	sshll.u32 s28, $0x1;
	[dreg:$0x2] =	wrdreg s4  }
0xaf: {  	[dreg:$0x3] =	wrdreg s6  }
0xb0: {  	[dreg:$0x4] =	wrdreg $0xC0  }
0xb1: {  	_ =	task [dreg:s8], $0x5FFFF  }
0xb2: {  	[dreg:$0x1] =	wrdreg $0xFFFFFFFF  }
0xb3: {  	[dreg:$0x0] =	wrdreg $0x60  }
0xb4: {  	[dreg:$0x2] =	wrdreg s24  }
0xb5: {  	[dreg:$0x3] =	wrdreg s17  }
0xb6: {  	[dreg:$0x4] =	wrdreg s16  }
0xb7: {  	[dreg:$0x5] =	wrdreg $0x4A000  }
0xb8: {  	[dreg:$0x6] =	wrdreg $0x9  }
0xb9: {  	_ =	task.clear_ibuf [dreg:s8], $0x7FFFF;
	_ =	strace $0x90000046  }
0xba: {  	s29 =	simm.s32 $0x9;
	_ =	strace $0x80000048  }
0xbb: {  	_ =	swait.ge [sflag:s29], $0x1  }
0xbc: {  	[sflag:s29] =	ssyncadd.s32 $0xFFFFFFFF  }
0xbd: {  	_ =	strace $0x90000048  }
0xbe: {  	_ =	sfence  }
0xbf: {  	s30 =	sld [smem:$0x0];
	_ =	sdelay $0x2  }
0xc0: {  	s31 =	sshll.u32 s1, $0xD;
	s1 =	sshrl.u32 s1, $0x2  }
0xc1: {  	s3 =	sand.u32 $0x4000, s31;
	s1 =	sadd.s32 s1, s30  }
0xc2: {  	s0 =	sor.u32 s3, s0;
	s1 =	sshll.u32 s1, $0x11  }
0xc3: {  	s0 =	sor.u32 s1, s0  }
0xc4: {  	s0 =	sadd.s32 $0x8F2B, s0  }
0xc5: {  	[sflag:s0] =	ssyncadd.remote.s32 $0x1  }
0xc6: {  	_ =	sfence.sel $0xFFFF  }
0xc7: {  	[dreg:$0x0] =	wrdreg $0xFFFFFFFF;
	(pc) =	sbr.abs _section_cstart, $3  }
0xc8: {  	[dreg:$0x1] =	wrdreg $0xFFFFFFFF  }
0xc9: {  	_ =	task.clear_ibuf [dreg:s8], $0x2FFFF;
	_ =	strace $0x9FFFFFFF  }
0xca: {  	(tm) =	ssettm $0x7FFFFFFF  }
0xcb: {  	_ =	shalt  }
tec
execute0_lowered:
.L_overlay_start_1:
0x0: {  	(tag) =	ssettag $0x1  }
0x1: {  	s11 =	rddreg [dreg:$0x0]  }
0x2: {  	s4 =	rddreg [dreg:$0x1];
	s1 =	srdreg.scid  }
0x3: {  	s20 =	rddreg [dreg:$0x2];
	s0 =	stileid.u32;
	s21 =	sand.u32 $0x1, s1  }
0x4: {  	s2 =	rddreg [dreg:$0x3];
	s8 =	sshll.u32 s0, $0xA;
	s5 =	sshll.u32 s21, $0x9  }
0x5: {  	s3 =	simm.s32 $0x0;
	s1 =	rddreg [dreg:$0x4];
	s23 =	sor.u32 s5, s8  }
0x6: {  	[smem:$0x7FF] =	sst s3;
	s5 =	sshrl.u32 s23, $0x3  }
0x7: {  	_ =	strace $0x80000047;
	s5 =	sadd.s32 s4, s5;
	s4 =	simm.s32 $0x2  }
0x8: {  	[tilespmem:s3], [sflag:$0x2] =	stream.linear.gather [hbm4b:s5+s3], $0x200, $0x38;
	[tilespmem:$0x6A00] =	vst v63  }
0x9: {  	_ =	swait.ge [sflag:s4], $0x200  }
0xa: {  	s7 =	simm.s32 $0x4200;
	[sflag:s4] =	ssyncset.done $0x0  }
0xb: {  	s6 =	sadd.s32 $0xCE00, s11;
	s9 =	sshll.u32 s0, $0xD;
	[sflag:s4] =	ssyncadd.s32 $0xFFFFFE00  }
0xc: {  	[tilespmem:s7], [sflag:$0x2] =	stream.linear.gather [hbm4b:s6+s3], $0x800, $0x38;
	[tilespmem:$0x6A00] =	vst v63  }
0xd: {  	s29 =	sshll.u32 s0, $0x6;
	s22 =	sadd.s32 s8, s11;
	_ =	swait.ge [sflag:s4], $0x800  }
0xe: {  	s10 =	sadd.s32 s9, s2;
	s9 =	sor.u32 $0x1C02, s29;
	[sflag:s4] =	ssyncset.done $0x0  }
0xf: {  	s8 =	sadd.s32 $0x8E00, s22;
	s10 =	sshrl.u32 s10, $0x3;
	[sflag:s4] =	ssyncadd.s32 $0xFFFFF800  }
0x10: {  	[spmem:s10], [sflag:s9] =	dma.local [hbm:s8], $0x400  }
0x11: {  	_ =	swait.ge [sflag:s4], $0x400  }
0x12: {  	s12 =	simm.s32 $0x80;
	[sflag:s4] =	ssyncset.done $0x0  }
0x13: {  	s13 =	simm.s32 $0x200;
	s11 =	sadd.s32 $0xE00, s11;
	[sflag:s4] =	ssyncadd.s32 $0xFFFFFC00  }
0x14: {  	[tilespmem:s13], [sflag:$0x1] =	stream.indirect.gather [hbm4b:s11+s12], $0x20, s3, s12, $0xb8;
	[tilespmem:$0x6A00] =	vst v63  }
0x15: {  	s14 =	simm.s32 $0x1200  }
0x16: {  	[tilespmem:s14], [sflag:$0x1] =	stream.indirect.gather [hbm4b:s11+s12], $0x20, s12, s12, $0xb8;
	[tilespmem:$0x6A00] =	vst v63  }
0x17: {  	s15 =	simm.s32 $0x100;
	s16 =	simm.s32 $0x2200  }
0x18: {  	[tilespmem:s16], [sflag:$0x1] =	stream.indirect.gather [hbm4b:s11+s12], $0x20, s15, s12, $0xb8;
	[tilespmem:$0x6A00] =	vst v63  }
0x19: {  	s17 =	simm.s32 $0x180;
	s18 =	simm.s32 $0x3200;
	s19 =	simm.s32 $0x1  }
0x1a: {  	[tilespmem:s18], [sflag:$0x1] =	stream.indirect.gather [hbm4b:s11+s12], $0x20, s17, s12, $0xb8;
	[tilespmem:$0x6A00] =	vst v63  }
0x1b: {  	_ =	swait.ge [sflag:s19], $0x1000  }
0x1c: {  	[sflag:s19] =	ssyncset.done $0x0  }
0x1d: {  	[sflag:s19] =	ssyncadd.s32 $0xFFFFF000  }
0x1e: {  	_ =	swait.ge [sflag:s19], $0x1000  }
0x1f: {  	[sflag:s19] =	ssyncset.done $0x0  }
0x20: {  	[sflag:s19] =	ssyncadd.s32 $0xFFFFF000  }
0x21: {  	_ =	swait.ge [sflag:s19], $0x1000  }
0x22: {  	[sflag:s19] =	ssyncset.done $0x0  }
0x23: {  	[sflag:s19] =	ssyncadd.s32 $0xFFFFF000  }
0x24: {  	_ =	swait.ge [sflag:s19], $0x1000  }
0x25: {  	s23 =	sshll.u32 s23, $0x2;
	[sflag:s19] =	ssyncset.done $0x0  }
0x26: {  	s20 =	sadd.s32 s20, s23;
	[sflag:s19] =	ssyncadd.s32 $0xFFFFF000  }
0x27: {  	[hbm4b:s20+s3] =	stream.linear.scatter [tilespmem:s13], [sflag:$0x2], $0x4000, $0x38;
	[tilespmem:$0x6A00] =	vst v63  }
0x28: {  	_ =	swait.ge [sflag:s4], $0x4000  }
0x29: {  	[sflag:s4] =	ssyncset.done $0x0  }
0x2a: {  	[sflag:s4] =	ssyncadd.s32 $0xFFFFC000  }
0x2b: {  	[bflag:$0x0] =	sbarrier.arrive $0xFFFF  }
0x2c: {  	[spmem:s2] =	stream.indirect.scatter.add.f32 [tilespmem:s7], [sflag:$0x2], $0x10, s3, s12, $0xb8;
	[tilespmem:$0x6A00] =	vst v63  }
0x2d: {  	_ =	swait.ge [sflag:s4], $0x800  }
0x2e: {  	[sflag:s4] =	ssyncset.done $0x0  }
0x2f: {  	[sflag:s4] =	ssyncadd.s32 $0xFFFFF800  }
0x30: {  	[spmem:s2] =	stream.indirect.scatter.add.f32 [tilespmem:s7], [sflag:$0x2], $0x10, s12, s12, $0xb8;
	[tilespmem:$0x6A00] =	vst v63  }
0x31: {  	_ =	swait.ge [sflag:s4], $0x800  }
0x32: {  	[sflag:s4] =	ssyncset.done $0x0  }
0x33: {  	[sflag:s4] =	ssyncadd.s32 $0xFFFFF800  }
0x34: {  	[spmem:s2] =	stream.indirect.scatter.add.f32 [tilespmem:s7], [sflag:$0x2], $0x10, s15, s12, $0xb8;
	[tilespmem:$0x6A00] =	vst v63  }
0x35: {  	s30 =	ssub.s32 $0x2, s21;
	_ =	swait.ge [sflag:s4], $0x800  }
0x36: {  	s24 =	sshrl.u32 s30, $0x1;
	[sflag:s4] =	ssyncset.done $0x0  }
0x37: {  	s23 =	ssub.s32 s30, s24;
	[sflag:s4] =	ssyncadd.s32 $0xFFFFF800  }
0x38: {  	[spmem:s2] =	stream.indirect.scatter.add.f32 [tilespmem:s7], [sflag:$0x2], $0x10, s17, s12, $0xb8;
	[tilespmem:$0x6A00] =	vst v63  }
0x39: {  	s31 =	smax.u32 s23, $0x1;
	_ =	swait.ge [sflag:s4], $0x800  }
0x3a: {  	s21 =	sshll.u32 s21, $0xE;
	p0 =	sne.s32 s31, $0x1;
	[sflag:s4] =	ssyncset.done $0x0  }
.Ltmp0:
0x3b: {  	s21 =	sadd.s32 s21, s22;
	[sflag:s4] =	ssyncadd.s32 $0xFFFFF800;
	(pc) =	sbr.rel @!p0 .LBB2_2-.Ltmp0, $4  }
0x3c: {  	s21 =	sadd.s32 $0xD000, s21;
	[bflag:$0x0] =	sbarrier.arrive $0xFFFF  }
0x3d: {  	[hbm:s21], [sflag:s9] =	dma.local [spmem:s10], $0x400  }
0x3e: {  	_ =	swait.ge [sflag:s4], $0x400  }
0x3f: {  	s22 =	sadd.s32 $0xFFFFFFFF, s31;
	[sflag:s4] =	ssyncset.done $0x0  }
.LBB2_1:
0x40: {  	p0 =	sne.s32 s22, $0x1;
	s22 =	sadd.s32 $0xFFFFFFFF, s22;
	[sflag:s4] =	ssyncadd.s32 $0xFFFFFC00  }
0x41: {  	[tilespmem:s3], [sflag:$0x2] =	stream.linear.gather [hbm4b:s5+s3], $0x200, $0x38;
	[tilespmem:$0x6A00] =	vst v63  }
0x42: {  	_ =	swait.ge [sflag:s4], $0x200  }
0x43: {  	[sflag:s4] =	ssyncset.done $0x0  }
0x44: {  	[sflag:s4] =	ssyncadd.s32 $0xFFFFFE00  }
0x45: {  	[tilespmem:s7], [sflag:$0x2] =	stream.linear.gather [hbm4b:s6+s3], $0x800, $0x38;
	[tilespmem:$0x6A00] =	vst v63  }
0x46: {  	_ =	swait.ge [sflag:s4], $0x800  }
0x47: {  	[sflag:s4] =	ssyncset.done $0x0  }
0x48: {  	[sflag:s4] =	ssyncadd.s32 $0xFFFFF800  }
0x49: {  	[spmem:s10], [sflag:s9] =	dma.local [hbm:s8], $0x400  }
0x4a: {  	_ =	swait.ge [sflag:s4], $0x400  }
0x4b: {  	[sflag:s4] =	ssyncset.done $0x0  }
0x4c: {  	[sflag:s4] =	ssyncadd.s32 $0xFFFFFC00  }
0x4d: {  	[tilespmem:s13], [sflag:$0x1] =	stream.indirect.gather [hbm4b:s11+s12], $0x20, s3, s12, $0xb8;
	[tilespmem:$0x6A00] =	vst v63  }
0x4e: {  	_ = 	snop  }
0x4f: {  	[tilespmem:s14], [sflag:$0x1] =	stream.indirect.gather [hbm4b:s11+s12], $0x20, s12, s12, $0xb8;
	[tilespmem:$0x6A00] =	vst v63  }
0x50: {  	_ = 	snop  }
0x51: {  	[tilespmem:s16], [sflag:$0x1] =	stream.indirect.gather [hbm4b:s11+s12], $0x20, s15, s12, $0xb8;
	[tilespmem:$0x6A00] =	vst v63  }
0x52: {  	_ = 	snop  }
0x53: {  	[tilespmem:s18], [sflag:$0x1] =	stream.indirect.gather [hbm4b:s11+s12], $0x20, s17, s12, $0xb8;
	[tilespmem:$0x6A00] =	vst v63  }
0x54: {  	_ =	swait.ge [sflag:s19], $0x1000  }
0x55: {  	[sflag:s19] =	ssyncset.done $0x0  }
0x56: {  	[sflag:s19] =	ssyncadd.s32 $0xFFFFF000  }
0x57: {  	_ =	swait.ge [sflag:s19], $0x1000  }
0x58: {  	[sflag:s19] =	ssyncset.done $0x0  }
0x59: {  	[sflag:s19] =	ssyncadd.s32 $0xFFFFF000  }
0x5a: {  	_ =	swait.ge [sflag:s19], $0x1000  }
0x5b: {  	[sflag:s19] =	ssyncset.done $0x0  }
0x5c: {  	[sflag:s19] =	ssyncadd.s32 $0xFFFFF000  }
0x5d: {  	_ =	swait.ge [sflag:s19], $0x1000  }
0x5e: {  	[sflag:s19] =	ssyncset.done $0x0  }
0x5f: {  	[sflag:s19] =	ssyncadd.s32 $0xFFFFF000  }
0x60: {  	[hbm4b:s20+s3] =	stream.linear.scatter [tilespmem:s13], [sflag:$0x2], $0x4000, $0x38;
	[tilespmem:$0x6A00] =	vst v63  }
0x61: {  	_ =	swait.ge [sflag:s4], $0x4000  }
0x62: {  	[sflag:s4] =	ssyncset.done $0x0  }
0x63: {  	[sflag:s4] =	ssyncadd.s32 $0xFFFFC000  }
0x64: {  	[bflag:$0x0] =	sbarrier.arrive $0xFFFF  }
0x65: {  	[spmem:s2] =	stream.indirect.scatter.add.f32 [tilespmem:s7], [sflag:$0x2], $0x10, s3, s12, $0xb8;
	[tilespmem:$0x6A00] =	vst v63  }
0x66: {  	_ =	swait.ge [sflag:s4], $0x800  }
0x67: {  	[sflag:s4] =	ssyncset.done $0x0  }
0x68: {  	[sflag:s4] =	ssyncadd.s32 $0xFFFFF800  }
0x69: {  	[spmem:s2] =	stream.indirect.scatter.add.f32 [tilespmem:s7], [sflag:$0x2], $0x10, s12, s12, $0xb8;
	[tilespmem:$0x6A00] =	vst v63  }
0x6a: {  	_ =	swait.ge [sflag:s4], $0x800  }
0x6b: {  	[sflag:s4] =	ssyncset.done $0x0  }
0x6c: {  	[sflag:s4] =	ssyncadd.s32 $0xFFFFF800  }
0x6d: {  	[spmem:s2] =	stream.indirect.scatter.add.f32 [tilespmem:s7], [sflag:$0x2], $0x10, s15, s12, $0xb8;
	[tilespmem:$0x6A00] =	vst v63  }
0x6e: {  	_ =	swait.ge [sflag:s4], $0x800  }
0x6f: {  	[sflag:s4] =	ssyncset.done $0x0  }
0x70: {  	[sflag:s4] =	ssyncadd.s32 $0xFFFFF800  }
0x71: {  	[spmem:s2] =	stream.indirect.scatter.add.f32 [tilespmem:s7], [sflag:$0x2], $0x10, s17, s12, $0xb8;
	[tilespmem:$0x6A00] =	vst v63  }
0x72: {  	_ =	swait.ge [sflag:s4], $0x800  }
0x73: {  	[sflag:s4] =	ssyncset.done $0x0  }
.Ltmp1:
0x74: {  	[sflag:s4] =	ssyncadd.s32 $0xFFFFF800;
	(pc) =	sbr.rel @p0 .LBB2_1-.Ltmp1, $4  }
0x75: {  	[bflag:$0x0] =	sbarrier.arrive $0xFFFF  }
0x76: {  	[hbm:s21], [sflag:s9] =	dma.local [spmem:s10], $0x400  }
0x77: {  	_ =	swait.ge [sflag:s4], $0x400  }
0x78: {  	[sflag:s4] =	ssyncset.done $0x0  }
.LBB2_2:
0x79: {  	[sflag:s4] =	ssyncadd.s32 $0xFFFFFC00  }
0x7a: {  	_ =	sfence.sel $0x180000  }
0x7b: {  	[bflag:$0x0] =	sbarrier.arrive $0xFFFF  }
0x7c: {  	p0 =	sne.s32 s0, $0x0;
	_ =	strace $0x90000047  }
0x7d: {  	s0 =	sadd.s32 @!p0 $0x100000, s1;
	[bflag:$0x2] =	sbarrier.arrive $0xFFFF  }
0x7e: {  	[sflag:s0] =	ssyncadd.tile.s32 @!p0 $0x1;
	_ =	shalt  }
.Lfunc_end2:
_tile_overlayer_lowered:
.L_overlay_start_2:
0x7f: {  	(tag) =	ssettag $0x2  }
0x80: {  	s0 =	rddreg [dreg:$0x0];
	s2 =	stileid.u32  }
0x81: {  	s1 =	rddreg [dreg:$0x1];
	p0 =	sne.s32 s2, $0x0  }
0x82: {  	s3 =	rddreg [dreg:$0x2];
	[bflag:$0x3] =	sbarrier.arrive $0xFFFF;
	s2 =	simm.s32 @!p0 $0x1C02  }
0x83: {  	[timem:s3], [sflag:s2] =	dma.local @!p0 [hbm:s0], s1  }
0x84: {  	s0 =	simm.s32 @!p0 $0x2  }
0x85: {  	_ =	swait.ge @!p0 [sflag:s0], s1  }
0x86: {  	s1 =	ssub.s32 @!p0 $0x0, s1;
	[sflag:s0] =	ssyncset.done @!p0 $0x0  }
0x87: {  	[sflag:s0] =	ssyncadd.s32 @!p0 s1  }
0x88: {  	[bflag:$0x3] =	sbarrier.arrive $0xFFFF  }
0x89: {  	_ =	shalt  }

</sc_bundles>
